<compile_context>
chip_gen: v7x
topology: tpu7x:2x2x1
jax: 0.10.2.dev20260603
libtpu: 0.0.44.dev20260713+nightly
codegen_flags: <defaults>
</compile_context>

<pallas_src>
import jax
import jax.numpy as jnp
from jax.experimental import pallas as pl

_VOCAB = 156
_DIM = 19


def _cosine_top1_kernel(x_ref, w_ref, cos_ref, idx_ref):
    x = x_ref[...]
    w = w_ref[...]
    dot = jax.lax.dot_general(
        x, w, (((1,), (1,)), ((), ())), preferred_element_type=jnp.float32
    )
    norm_e = jnp.sqrt(jnp.sum(x * x, axis=1, keepdims=True))
    norm_w = jnp.sqrt(jnp.sum(w * w, axis=1, keepdims=True))
    cos = dot / jnp.maximum(norm_e * norm_w.reshape(1, _VOCAB), 1e-8)
    cos_ref[...] = cos
    idx_ref[...] = jnp.argmax(cos, axis=1, keepdims=True).astype(jnp.int32)


def kernel(embedded_sequence, weight):
    B, L, D = embedded_sequence.shape
    N = B * L
    R = 3200
    x2 = embedded_sequence.reshape(N, D)
    cos, idx = pl.pallas_call(
        _cosine_top1_kernel,
        grid=(N // R,),
        in_specs=[
            pl.BlockSpec((R, _DIM), lambda i: (i, 0)),
            pl.BlockSpec((_VOCAB, _DIM), lambda i: (0, 0)),
        ],
        out_specs=[
            pl.BlockSpec((R, _VOCAB), lambda i: (i, 0)),
            pl.BlockSpec((R, 1), lambda i: (i, 0)),
        ],
        out_shape=[
            jax.ShapeDtypeStruct((N, _VOCAB), jnp.float32),
            jax.ShapeDtypeStruct((N, 1), jnp.int32),
        ],
    )(x2, weight)
    return cos.reshape(B, L, _VOCAB), idx.reshape(B, L, 1)

# --- scband reference (transcript-rebuilt; emitter-appended) ---
"""Pipeline reference for scband-embedng-66477503808185 (READ-ONLY COPY).

The authoritative reference and input builder live on the scoring server;
editing this copy changes nothing except your own understanding.
"""

import jax, jax.numpy as jnp
import numpy as np

VOCAB = 156
EMBED_DIM = 19
B = 1024
L = 200

def setup_inputs(seed: int = 0) -> dict:
    key = jax.random.key(seed)
    k1, k2 = jax.random.split(key)
    embedded_sequence = jax.random.normal(k1, (B, L, EMBED_DIM), dtype=jnp.float32)
    # pretrained embedding table (nn.Embedding.from_pretrained(weights)), shape [156, 19]
    weight = jax.random.normal(k2, (VOCAB, EMBED_DIM), dtype=jnp.float32)
    return {"embedded_sequence": embedded_sequence, "weight": weight}

def reference(embedded_sequence, weight):
    # Faithful translation of Embedng.unembed:
    #   weights.transpose(0,1).unsqueeze(0).unsqueeze(0) -> [1,1,19,156]
    #   e_sequence = embedded_sequence.unsqueeze(3)       -> [B,L,19,1]
    #   cosines = CosineSimilarity(dim=2)(e_seq, weights) -> [B,L,156]
    #   _, indexes = torch.topk(cosines, 1, dim=2)
    # The broadcasted dot over dim 2 is computed as a matmul for efficiency
    # (identical math).
    eps = 1e-8
    dot = jnp.einsum('bld,vd->blv', embedded_sequence, weight)  # [B,L,156]
    norm_e = jnp.sqrt(jnp.sum(embedded_sequence * embedded_sequence, axis=-1))  # [B,L]
    norm_w = jnp.sqrt(jnp.sum(weight * weight, axis=-1))  # [156]
    denom = jnp.maximum(norm_e[:, :, None] * norm_w[None, None, :], eps)
    cosines = dot / denom  # [B,L,156]
    _, indexes = jax.lax.top_k(cosines, 1)  # top-1 along last (vocab) axis -> [B,L,1]
    return cosines, indexes

if False:  # reference __main__ guard neutralized (emitter)
    out = reference(**setup_inputs())
    print(out[0].shape, out[1].shape)

if __name__ == "__main__":
    import jax
    _d = setup_inputs()
    print(jax.jit(kernel)(*tuple(_d.values())))

</pallas_src>

<mosaic_0001>
module attributes {stable_mosaic.version = 14 : i64} {
  func.func @_cosine_top1_kernel(%arg0: i32, %arg1: memref<3200x19xf32, #tpu.memory_space<vmem>>, %arg2: memref<156x19xf32, #tpu.memory_space<vmem>>, %arg3: memref<3200x156xf32, #tpu.memory_space<vmem>>, %arg4: memref<3200x1xi32, #tpu.memory_space<vmem>>) attributes {dimension_semantics = [#tpu.dimension_semantics<arbitrary>], iteration_bounds = array<i64: 64>, scalar_prefetch = 0 : i64, scratch_operands = 0 : i64, tpu.core_type = #tpu.core_type<tc>, window_params = [{transform_indices = @transform_0, window_bounds = array<i64: 3200, 19>}, {pipeline_mode = #tpu.pipeline_mode<synchronous>, transform_indices = @transform_1, window_bounds = array<i64: 156, 19>}, {transform_indices = @transform_2, window_bounds = array<i64: 3200, 156>}, {transform_indices = @transform_3, window_bounds = array<i64: 3200, 1>}]} {
    %get3A = arith.constant 0 : index
    %get3A_0 = arith.constant 0 : index
    %get3A_1 = vector.load %arg1[%get3A, %get3A_0] : memref<3200x19xf32, #tpu.memory_space<vmem>>, vector<3200x19xf32>
    %get3A_2 = arith.constant 0 : index
    %get3A_3 = arith.constant 0 : index
    %get3A_4 = vector.load %arg2[%get3A_2, %get3A_3] : memref<156x19xf32, #tpu.memory_space<vmem>>, vector<156x19xf32>
    %dot_general3A = arith.constant dense<0.000000e+00> : vector<3200x156xf32>
    %dot_general3A_5 = tpu.matmul %get3A_1, %get3A_4, %dot_general3A {dimension_numbers = #tpu.dot_dimension_numbers<[1], [1], [0], [0], [0, 0, 1, 0], [], []>, transpose_lhs_hint = false} : vector<3200x19xf32>, vector<156x19xf32>, vector<3200x156xf32> -> vector<3200x156xf32>
    %mul3A = arith.mulf %get3A_1, %get3A_1 : vector<3200x19xf32>
    %reduce_sum3A = arith.constant dense<0.000000e+00> : vector<3200xf32>
    %reduce_sum3A_6 = vector.multi_reduction <add>, %mul3A, %reduce_sum3A [1] : vector<3200x19xf32> to vector<3200xf32>
    %broadcast_in_dim3A = vector.shape_cast %reduce_sum3A_6 : vector<3200xf32> to vector<3200x1xf32>
    %sqrt3A = math.sqrt %broadcast_in_dim3A : vector<3200x1xf32>
    %mul3A_7 = arith.mulf %get3A_4, %get3A_4 : vector<156x19xf32>
    %reduce_sum3A_8 = arith.constant dense<0.000000e+00> : vector<156xf32>
    %reduce_sum3A_9 = vector.multi_reduction <add>, %mul3A_7, %reduce_sum3A_8 [1] : vector<156x19xf32> to vector<156xf32>
    %broadcast_in_dim3A_10 = vector.shape_cast %reduce_sum3A_9 : vector<156xf32> to vector<156x1xf32>
    %sqrt3A_11 = math.sqrt %broadcast_in_dim3A_10 : vector<156x1xf32>
    %reshape3A = vector.shape_cast %sqrt3A_11 : vector<156x1xf32> to vector<1x156xf32>
    %mul3A_12 = vector.broadcast %sqrt3A : vector<3200x1xf32> to vector<3200x156xf32>
    %mul3A_13 = vector.broadcast %reshape3A : vector<1x156xf32> to vector<3200x156xf32>
    %mul3A_14 = arith.mulf %mul3A_12, %mul3A_13 : vector<3200x156xf32>
    %max3A = arith.constant 9.99999993E-9 : f32
    %max3A_15 = vector.broadcast %max3A : f32 to vector<3200x156xf32>
    %max3A_16 = arith.maximumf %mul3A_14, %max3A_15 : vector<3200x156xf32>
    %div3A = arith.divf %dot_general3A_5, %max3A_16 : vector<3200x156xf32>
    %swap3A = arith.constant 0 : index
    %swap3A_17 = arith.constant 0 : index
    %swap3A_18 = vector.load %arg3[%swap3A, %swap3A_17] : memref<3200x156xf32, #tpu.memory_space<vmem>>, vector<3200x156xf32>
    tpu.vector_store %arg3[%swap3A, %swap3A_17], %div3A {strides = array<i32>} : memref<3200x156xf32, #tpu.memory_space<vmem>>, vector<3200x156xf32>,
    %argmax3A = tpu.reduce_index %div3A {axis = 1 : i32, kind = #tpu.reduction_kind<arg_max>} : vector<3200x156xf32> -> vector<3200xi32>
    %broadcast_in_dim3A_19 = vector.shape_cast %argmax3A : vector<3200xi32> to vector<3200x1xi32>
    %swap3A_20 = arith.constant 0 : index
    %swap3A_21 = arith.constant 0 : index
    %swap3A_22 = vector.load %arg4[%swap3A_20, %swap3A_21] : memref<3200x1xi32, #tpu.memory_space<vmem>>, vector<3200x1xi32>
    tpu.vector_store %arg4[%swap3A_20, %swap3A_21], %broadcast_in_dim3A_19 {strides = array<i32>} : memref<3200x1xi32, #tpu.memory_space<vmem>>, vector<3200x1xi32>,
    return
  }
  func.func @transform_0(%arg0: i32) -> (i32, i32) {
    %c0_i32 = arith.constant 0 : i32
    %c0_i32_0 = arith.constant 0 : i32
    return %arg0, %c0_i32 : i32, i32
  }
  func.func @transform_1(%arg0: i32) -> (i32, i32) {
    %c0_i32 = arith.constant 0 : i32
    %c0_i32_0 = arith.constant 0 : i32
    %c0_i32_1 = arith.constant 0 : i32
    return %c0_i32, %c0_i32_0 : i32, i32
  }
  func.func @transform_2(%arg0: i32) -> (i32, i32) {
    %c0_i32 = arith.constant 0 : i32
    %c0_i32_0 = arith.constant 0 : i32
    return %arg0, %c0_i32 : i32, i32
  }
  func.func @transform_3(%arg0: i32) -> (i32, i32) {
    %c0_i32 = arith.constant 0 : i32
    %c0_i32_0 = arith.constant 0 : i32
    return %arg0, %c0_i32 : i32, i32
  }
}

</mosaic_0001>

<sc_bundles>
// kernel: sparse-core-data-format-call.cloned.1.call-start
scs
called_computation_lowered:
.L_overlay_start_0:
0x0: {  	s2 =	sld [smem:$0x3FD9]  }
0x1: {  	s3 =	sld [smem:$0x3FFE];
	_ =	sdelay $0x1  }
0x2: {  	s1 =	srdreg.scid  }
0x3: {  	s0 =	sand.u32 $0x1, s1  }
0x4: {  	s15 =	sshll.u32 s0, $0xA;
	s2 =	sadd.s32 s3, s2  }
0x5: {  	s2 =	sadd.s32 s2, s15  }
0x6: {  	[smem:$0x3FC6] =	sst s2  }
0x7: {  	_ = 	snop  }
0x8: {  	s2 =	sld [smem:$0x3FD0];
	_ =	sdelay $0x2  }
0x9: {  	s16 =	simm.s32 $0xA;
	s4 =	simm.s32 $0x10  }
0xa: {  	[smem:s4], [sflag:s16] =	dma.local [hbm:s2], $0x1  }
0xb: {  	_ =	swait.eq [sflag:s16], $0x1  }
0xc: {  	[sflag:s16] =	ssyncset.done $0x0  }
0xd: {  	[sflag:s16] =	ssyncadd.s32 $0xFFFFFFFF  }
0xe: {  	s17 =	sld [smem:$0x10];
	(tm) =	ssettm $0x1  }
0xf: {  	s18 =	sld [smem:$0x3FFB];
	_ =	sdelay $0x3  }
0x10: {  	_ =	strace s18  }
0x11: {  	s3 =	sld [smem:$0x3FFC];
	_ =	sdelay $0x3  }
0x12: {  	_ =	strace s3  }
0x13: {  	s3 =	sld [smem:$0x3FFD];
	_ =	sdelay $0x3  }
0x14: {  	_ =	strace s3  }
0x15: {  	_ =	strace $0x8FFFFFFF  }
0x16: {  	s19 =	sld [smem:$0x3FDB];
	_ =	sdelay $0x1  }
0x17: {  	s20 =	simm.s32 $_scs_section_size  }
0x18: {  	s5 =	simm.s32 $_size__tile_overlayer_lowered;
	s6 =	simm.s32 $_tile_overlayer_lowered  }
0x19: {  	s23 =	simm.s32 $0x1BFF;
	s22 =	sshll.u32 s6, $0x1;
	s3 =	sadd.s32 s20, s19  }
0x1a: {  	s7 =	simm.s32 $0x0;
	s21 =	sshll.u32 s5, $0x1;
	s5 =	sadd.s32 s22, s3  }
0x1b: {  	[timem:s7], [sflag:s23] =	dma.local [hbm:s5], s21  }
0x1c: {  	_ =	swait.ge [sflag:s23], s21  }
0x1d: {  	s4 =	ssub.s32 $0x0, s21;
	[sflag:s23] =	ssyncset.done $0x0  }
0x1e: {  	[sflag:s23] =	ssyncadd.s32 s4;
	_ =	sdelay $0x1  }
0x1f: {  	s24 =	simm.s32 $0x1B8B  }
0x20: {  	_ =	swait.ge [sflag:s24], $0x1  }
0x21: {  	[sflag:s24] =	ssyncset.done $0x0  }
0x22: {  	s26 =	simm.s32 $0x1B8E;
	s25 =	sld [smem:$0x3FFE];
	[sflag:s24] =	ssyncadd.s32 $0xFFFFFFFF  }
0x23: {  	s27 =	simm.s32 $execute0_lowered;
	[smem:$0x3FD2] =	sst s26  }
0x24: {  	s5 =	sshll.u32 s27, $0x1;
	_ =	strace $0x80000046;
	[dreg:$0x1] =	wrdreg $0xFFFFFFFF  }
0x25: {  	s28 =	simm.s32 $_size_execute0_lowered;
	s3 =	sadd.s32 s3, s5;
	[dreg:$0x0] =	wrdreg $0x0  }
0x26: {  	s5 =	sshll.u32 s28, $0x1;
	[dreg:$0x2] =	wrdreg s3  }
0x27: {  	[dreg:$0x3] =	wrdreg s5  }
0x28: {  	[dreg:$0x4] =	wrdreg $0xC0  }
0x29: {  	_ =	task [dreg:s7], $0x5FFFF  }
0x2a: {  	[dreg:$0x1] =	wrdreg $0xFFFFFFFF  }
0x2b: {  	[dreg:$0x0] =	wrdreg $0x60  }
0x2c: {  	[dreg:$0x2] =	wrdreg s25  }
0x2d: {  	[dreg:$0x3] =	wrdreg s17  }
0x2e: {  	[dreg:$0x4] =	wrdreg $0x9  }
0x2f: {  	_ =	task.clear_ibuf [dreg:s7], $0x5FFFF;
	_ =	strace $0x90000046  }
0x30: {  	s29 =	simm.s32 $0x9;
	_ =	strace $0x80000048  }
0x31: {  	_ =	swait.ge [sflag:s29], $0x1  }
0x32: {  	[sflag:s29] =	ssyncadd.s32 $0xFFFFFFFF  }
0x33: {  	_ =	strace $0x90000048  }
0x34: {  	_ =	sfence  }
0x35: {  	s30 =	sld [smem:$0x0];
	_ =	sdelay $0x2  }
0x36: {  	s31 =	sshll.u32 s1, $0xD;
	s1 =	sshrl.u32 s1, $0x2  }
0x37: {  	s3 =	sand.u32 $0x4000, s31;
	s1 =	sadd.s32 s1, s30  }
0x38: {  	s0 =	sor.u32 s3, s0;
	s1 =	sshll.u32 s1, $0x11  }
0x39: {  	s0 =	sor.u32 s1, s0  }
0x3a: {  	s0 =	sadd.s32 $0x8F2B, s0  }
0x3b: {  	[sflag:s0] =	ssyncadd.remote.s32 $0x1  }
0x3c: {  	_ =	sfence.sel $0xFFFF  }
0x3d: {  	[dreg:$0x0] =	wrdreg $0xFFFFFFFF;
	(pc) =	sbr.abs _section_cstart, $3  }
0x3e: {  	[dreg:$0x1] =	wrdreg $0xFFFFFFFF  }
0x3f: {  	_ =	task.clear_ibuf [dreg:s7], $0x2FFFF;
	_ =	strace $0x9FFFFFFF  }
0x40: {  	(tm) =	ssettm $0x7FFFFFFF  }
0x41: {  	_ =	shalt  }
tec
execute0_lowered:
.L_overlay_start_1:
0x0: {  	(tag) =	ssettag $0x1  }
0x1: {  	s4 =	rddreg [dreg:$0x0]  }
0x2: {  	s2 =	rddreg [dreg:$0x1];
	s1 =	stileid.u32  }
0x3: {  	s0 =	rddreg [dreg:$0x2];
	_ =	strace $0x80000047;
	s10 =	srdreg.scid  }
0x4: {  	s31 =	simm.s32 $0x2;
	s18 =	simm.s32 $0x0;
	s11 =	simm.s32 $0x32000  }
0x5: {  	s19 =	simm.s32 $0x0;
	s20 =	simm.s32 $0x0;
	s12 =	simm.s32 $0x0  }
0x6: {  	s13 =	simm.s32 $0x0;
	s14 =	simm.s32 $0x0;
	s3 =	sshll.u32 s1, $0x7  }
0x7: {  	s17 =	simm.s32 $0x0;
	s4 =	sadd.s32 $0x320200, s4;
	s3 =	sand.u32 $0x380, s3  }
0x8: {  	s5 =	sshrl.u32 s1, $0x3;
	s30 =	sshll.u32 s10, $0x7;
	s6 =	ssub.s32 $0x400, s3  }
0x9: {  	s8 =	ssub.s32 $0xC8, s5;
	s7 =	sshrl.u32 s6, $0xA;
	s6 =	sand.u32 $0x380, s6  }
0xa: {  	s9 =	sshrl.u32 s8, $0x1;
	p0 =	sne.s32 s6, $0x0;
	s6 =	simm.s32 $0x1  }
.Ltmp0:
0xb: {  	s8 =	sand.u32 $0x1, s8;
	s6 =	simm.s32 @!p0 $0x0;
	(pc) =	sbr.rel .LBB1_1-.Ltmp0, $4  }
0xc: {  	s15 =	smov.u32 s5;
	s8 =	sadd.s32 s8, s9;
	s7 =	sadd.s32 s6, s7  }
0xd: {  	s16 =	smov.u32 s3;
	s6 =	simm.s32 $0x1;
	s7 =	smul.u32 s8, s7  }
0xe: {  	p0 =	por $0x0, $0x0;
	s8 =	sand.u32 $0x80, s30;
	[sflag:s6] =	ssyncpa.u1 $0x0  }
0xf: {  	[sflag:s31] =	ssyncpa.u1 $0x0;
	s9 =	sshll.u32 s8, $0x3;
	s10 =	sadd.s32 $0x1, s7  }
.LBB1_4:
0x10: {  	[tilespmem:s23+$0x2040 ss:$0x81] =	vst.msk $0xffff, v4  }
0x11: {  	[tilespmem:s23+$0x2850 ss:$0x81] =	vst.msk $0xffff, v3  }
0x12: {  	s25 =	sshra.s32 s25, $0x2;
	s26 =	sshll.u32 s13, $0xA;
	s27 =	sshll.u32 s14, $0x3;
	[tilespmem:s23+$0x3060 ss:$0x81] =	vst.msk $0xffff, v2  }
0x13: {  	p1 =	sgt.s32 s14, $0x380;
	s29 =	sshra.s32 s14, $0x1F;
	[tilespmem:s23+$0x0 ss:$0x81] =	vst.msk $0xffff, v1;
	s23 =	smov.u32 s12  }
0x14: {  	s24 =	sadd.s32 s25, s24;
	s26 =	sand.u32 $0xFFFFE000, s26;
	s28 =	sand.u32 $0xFFFFFC00, s27  }
0x15: {  	s27 =	sand.u32 s29, s14;
	s29 =	sshra.s32 s13, $0x1F;
	s25 =	sadd.s32 s28, s26  }
0x16: {  	s26 =	smov.u32 s14;
	s28 =	smov.u32 s13;
	s29 =	sand.u32 s29, s13  }
0x17: {  	v5 =	vld [tilespmem:s22+$0xFFFFFFD0];
	s25 =	sshrl.u32 s25, $0xA;
	s26 =	simm.s32 @!p1 $0x380;
	p1 =	sgt.s32 s13, $0xC7  }
0x18: {  	v58 =	vld [tilespmem:s22+$0xFFFFFFE0];
	s26 =	ssub.s32 s26, s27;
	s27 =	smulhi.u32 $0x147AE15, s25;
	s28 =	simm.s32 @!p1 $0xC7  }
0x19: {  	v59 =	vld [tilespmem:s22+$0xFFFFFFF0];
	p1 =	sgt.s32 s12, $0x1C;
	s28 =	ssub.s32 s28, s29;
	s30 =	sadd.s32 $0xFFFFFC80, s26  }
0x1a: {  	v60 =	vld [tilespmem:s22+$0x0];
	s26 =	ssub.s32 $0x400, s26;
	s23 =	simm.s32 @!p1 $0x1C;
	s29 =	sand.u32 $0x78, s14  }
0x1b: {  	v61 =	vld [tilespmem:s22+$0x10];
	[tilespmem:s24+$0x3870 ss:$0x81] =	vst.msk $0xffff, v0;
	p2 =	sgt.s32 s30, $0x7F;
	s31 =	sadd.s32 $0xFFFFFF39, s28;
	s27 =	smul.u32 $0xC8, s27  }
0x1c: {  	v62 =	vld [tilespmem:s22+$0x20];
	[tilespmem:s24+$0x810 ss:$0x81] =	vst.msk $0xffff, v5;
	s23 =	ssub.s32 $0x9C, s23;
	s30 =	sshll.u32 s13, $0x7;
	s28 =	ssub.s32 $0xC8, s28  }
0x1d: {  	v63 =	vld [tilespmem:s22+$0xFFFFFFC0];
	[tilespmem:s24+$0x1020 ss:$0x81] =	vst.msk $0xffff, v58;
	s26 =	simm.s32 @p2 $0x0;
	p1 =	sgt.s32 s31, $0x0;
	s31 =	smul.u32 $0x6400, s12  }
0x1e: {  	[tilespmem:s24+$0x1830 ss:$0x81] =	vst.msk $0xffff, v59;
	s22 =	sand.u32 $0x380, s30;
	s23 =	smul.u32 s23, s26;
	s28 =	simm.s32 @p1 $0x0  }
0x1f: {  	[tilespmem:s24+$0x2040 ss:$0x81] =	vst.msk $0xffff, v60;
	s22 =	sor.u32 s29, s22;
	s25 =	ssub.s32 s25, s27;
	s29 =	sand.u32 $0x7, s14  }
0x20: {  	[tilespmem:s24+$0x2850 ss:$0x81] =	vst.msk $0xffff, v61;
	s22 =	sshrl.u32 s22, $0x3;
	s26 =	sadd.s32 s2, s31;
	s23 =	smul.u32 s28, s23  }
0x21: {  	[tilespmem:s24+$0x3060 ss:$0x81] =	vst.msk $0xffff, v62;
	s25 =	sshll.u32 s25, $0x7;
	s30 =	sshll.u32 s29, $0x12;
	s22 =	sadd.s32 s22, s26  }
0x22: {  	[tilespmem:s24+$0x0 ss:$0x81] =	vst.msk $0xffff, v63;
	s31 =	sor.u32 $0x80, s30;
	s22 =	sadd.s32 s25, s22;
	s23 =	sand.u32 $0x3FFFFFFF, s23  }
0x23: {  	[hbm4b:s22+s31] =	stream.strided.scatter [tilespmem:s21], [sflag:$0x2], s23, s11, s31, $0x20;
	[tilespmem:$0x10100] =	vst v63  }
.LBB1_5:
0x24: {  	p1 =	slt.u32 s17, $0x2;
	s21 =	smov.u32 s19  }
0x25: {  	s22 =	smov.u32 s20;
	p2 =	sgt.s32 @!p1 s19, $0xC7;
	p3 =	sgt.s32 @!p1 s20, $0x380  }
0x26: {  	s23 =	sshra.s32 @!p1 s20, $0x1F;
	p2 =	por !p2, p1;
	p3 =	por !p3, p1  }
0x27: {  	s20 =	sand.u32 @!p1 s23, s20;
	s21 =	simm.s32 @p2 $0xC7;
	s22 =	simm.s32 @p3 $0x380  }
0x28: {  	p2 =	sgt.s32 @!p1 s18, $0x1C;
	s20 =	ssub.s32 @!p1 s22, s20;
	s22 =	sshra.s32 @!p1 s19, $0x1F  }
0x29: {  	p2 =	por !p2, p1;
	s19 =	sand.u32 @!p1 s22, s19;
	s22 =	sadd.s32 @!p1 $0xFFFFFC80, s20  }
0x2a: {  	s18 =	simm.s32 @p2 $0x1C;
	s19 =	ssub.s32 @!p1 s21, s19;
	p2 =	sgt.s32 @!p1 s22, $0x7F  }
0x2b: {  	s20 =	ssub.s32 @!p1 $0x400, s20;
	s21 =	sadd.s32 @!p1 $0xFFFFFF39, s19;
	p2 =	por !p2, p1  }
0x2c: {  	s18 =	ssub.s32 @!p1 $0x9C, s18;
	s20 =	simm.s32 @!p2 $0x0;
	p2 =	sgt.s32 @!p1 s21, $0x0  }
0x2d: {  	s19 =	ssub.s32 @!p1 $0xC8, s19;
	p2 =	por !p2, p1;
	s18 =	smul.u32 @!p1 s18, s20  }
0x2e: {  	s23 =	smov.u32 s16;
	s21 =	sadd.s32 $0x2, s15;
	s19 =	simm.s32 @!p2 $0x0  }
0x2f: {  	p2 =	sgt.s32 s21, $0xC7;
	s18 =	smul.u32 @!p1 s19, s18;
	s19 =	sadd.s32 $0x400, s16  }
0x30: {  	s25 =	sadd.s32 $0x1, s17;
	s23 =	smov.u32 @p2 s19  }
0x31: {  	p0 =	por !p0, !p0;
	s21 =	smov.u32 @p2 s5;
	p2 =	sgt.s32 s23, $0x3FF  }
0x32: {  	s22 =	simm.s32 @!p1 $0x2;
	s23 =	smov.u32 @p2 s3;
	p2 =	sne.s32 s17, s10  }
.Ltmp1:
0x33: {  	s20 =	smov.u32 s14;
	s14 =	smov.u32 s16;
	(pc) =	sbr.rel @!p2 .LBB1_6-.Ltmp1, $4  }
0x34: {  	s19 =	smov.u32 s13;
	s13 =	smov.u32 s15;
	s18 =	sand.u32 @!p1 $0x3FFFFFFF, s18  }
0x35: {  	s15 =	smov.u32 s21;
	_ =	swait.ge @!p1 [sflag:s22], s18;
	s24 =	ssub.s32 @!p1 $0x0, s18  }
0x36: {  	s18 =	smov.u32 s12;
	s12 =	smov.u32 s8;
	[sflag:s22] =	ssyncset.done @!p1 $0x0  }
0x37: {  	s17 =	smov.u32 s25;
	s16 =	smov.u32 s23;
	[sflag:s22] =	ssyncadd.s32 @!p1 s24  }
.LBB1_1:
0x38: {  	p1 =	sge.u32 s17, s7  }
0x39: {  	s21 =	sshll.u32 @!p1 s15, $0x8  }
0x3a: {  	s22 =	sshll.u32 @!p1 s15, $0x7;
	s21 =	sand.u32 @!p1 $0xFFFFF800, s21  }
0x3b: {  	s22 =	sand.u32 @!p1 $0x300, s22;
	s21 =	sor.u32 @!p1 s9, s21  }
0x3c: {  	s21 =	sor.u32 @!p1 s22, s21  }
0x3d: {  	s21 =	sshrl.u32 @!p1 s21, $0x8  }
0x3e: {  	s22 =	smulhi.u32 @!p1 $0x147AE15, s21;
	_ =	sdelay $0x1  }
0x3f: {  	s22 =	smul.u32 @!p1 $0xC8, s22  }
0x40: {  	s31 =	sadd.s32 $0xFFFFFFFF, s17;
	s23 =	smul.u32 @!p1 $0x1900, s16  }
0x41: {  	s24 =	sxor.u32 @!p1 $0xFFFFFFFF, s17;
	s21 =	ssub.s32 @!p1 s21, s22;
	s22 =	sshll.u32 @!p1 s15, $0x4  }
0x42: {  	s24 =	sshll.u32 @!p1 s24, $0xE;
	s23 =	sadd.s32 @!p1 s4, s23;
	s22 =	sand.u32 @!p1 $0x10, s22  }
0x43: {  	s24 =	sand.u32 @!p1 $0x4000, s24;
	s21 =	sshll.u32 @!p1 s21, $0x5;
	s22 =	sadd.s32 @!p1 s22, s23  }
0x44: {  	s23 =	simm.s32 @!p1 $0xC800;
	s21 =	sadd.s32 @!p1 s21, s22;
	s22 =	simm.s32 @!p1 $0x80  }
0x45: {  	[tilespmem:s24], [sflag:$0x1] =	stream.strided.gather @!p1 [hbm4b:s21+s22], $0x4000, s23, s22, $0x38;
	[tilespmem:$0x10100] =	vst v63  }
0x46: {  	p1 =	sge.u32 s31, s7  }
.Ltmp2:
0x47: {  	_ = 	snop;
	(pc) =	sbr.rel @p1 .LBB1_5-.Ltmp2, $1  }
0x48: {  	_ =	sdelay $0x3  }
0x49: {  	s21 =	simm.s32 $0x1  }
0x4a: {  	_ =	swait.ge [sflag:s6], $0x4000;
	s21 =	simm.s32 @!p0 $0x0  }
0x4b: {  	[sflag:s6] =	ssyncset.done $0x0;
	s22 =	sshll.u32 s21, $0xE  }
0x4c: {  	[sflag:s6] =	ssyncadd.s32 $0xFFFFC000;
	s22 =	sor.u32 $0x40, s22  }
0x4d: {  	s21 =	smul.u32 $0x10200, s21;
	v0 =	vld [tilespmem:s22+$0x30]  }
0x4e: {  	v1 =	vld [tilespmem:s22+$0xFFFFFFD0]  }
0x4f: {  	s21 =	sshrl.u32 s21, $0x2;
	v5 =	vld [tilespmem:s22+$0xFFFFFFE0]  }
0x50: {  	v6 =	vld [tilespmem:s22+$0xFFFFFFF0];
	s24 =	sor.u32 $0x8000, s21  }
0x51: {  	s31 =	sand.u32 $0x1, s17;
	v4 =	vld [tilespmem:s22+$0x0];
	s23 =	sadd.s32 $0x0, s24  }
0x52: {  	v3 =	vld [tilespmem:s22+$0x10];
	s21 =	smul.u32 $0x10200, s31;
	[tilespmem:s23+$0x3870 ss:$0x81] =	vst.msk $0xffff, v0  }
0x53: {  	v2 =	vld [tilespmem:s22+$0x20];
	[tilespmem:s23+$0x810 ss:$0x81] =	vst.msk $0xffff, v1  }
0x54: {  	s21 =	sshrl.u32 s21, $0x2;
	v1 =	vld [tilespmem:s22+$0xFFFFFFC0];
	[tilespmem:s23+$0x1020 ss:$0x81] =	vst.msk $0xffff, v5;
	s22 =	sadd.s32 $0x80, s22  }
0x55: {  	s25 =	simm.s32 $0x4;
	s26 =	simm.s32 $0x8;
	s21 =	sor.u32 $0x8000, s21;
	[tilespmem:s23+$0x1830 ss:$0x81] =	vst.msk $0xffff, v6;
	v0 =	vld [tilespmem:s22+$0x30]  }
.LBB1_3:
0x56: {  	p1 =	sne.s32 s26, $0x1FC;
	v5 =	vld [tilespmem:s22+$0xFFFFFFD0];
	[tilespmem:s23+$0x2040 ss:$0x81] =	vst.msk $0xffff, v4  }
0x57: {  	v6 =	vld [tilespmem:s22+$0xFFFFFFE0];
	[tilespmem:s23+$0x2850 ss:$0x81] =	vst.msk $0xffff, v3  }
0x58: {  	s27 =	sshra.s32 s25, $0x2;
	s25 =	smov.u32 s26;
	v7 =	vld [tilespmem:s22+$0xFFFFFFF0];
	[tilespmem:s23+$0x3060 ss:$0x81] =	vst.msk $0xffff, v2  }
.Ltmp3:
0x59: {  	v4 =	vld [tilespmem:s22+$0x0];
	[tilespmem:s23+$0x0 ss:$0x81] =	vst.msk $0xffff, v1;
	s23 =	sadd.s32 s27, s24;
	(pc) =	sbr.rel @p1 .LBB1_3-.Ltmp3, $4  }
0x5a: {  	v3 =	vld [tilespmem:s22+$0x10];
	[tilespmem:s23+$0x3870 ss:$0x81] =	vst.msk $0xffff, v0  }
0x5b: {  	[tilespmem:s23+$0x810 ss:$0x81] =	vst.msk $0xffff, v5;
	v2 =	vld [tilespmem:s22+$0x20]  }
0x5c: {  	v1 =	vld [tilespmem:s22+$0xFFFFFFC0];
	[tilespmem:s23+$0x1020 ss:$0x81] =	vst.msk $0xffff, v6;
	s22 =	sadd.s32 $0x80, s22  }
0x5d: {  	s26 =	sadd.s32 $0x4, s26;
	v0 =	vld [tilespmem:s22+$0x30];
	[tilespmem:s23+$0x1830 ss:$0x81] =	vst.msk $0xffff, v7  }
.Ltmp4:
0x5e: {  	_ = 	snop;
	(pc) =	sbr.rel .LBB1_4-.Ltmp4, $1  }
0x5f: {  	_ =	sdelay $0x3  }
.LBB1_6:
0x60: {  	_ =	sfence.sel $0x180000  }
0x61: {  	s2 =	simm.s32 $0x1;
	[bflag:$0x0] =	sbarrier.arrive $0xFFFF  }
0x62: {  	s31 =	simm.s32 $0x2;
	[sflag:s2] =	ssyncpa.u1 $0x1  }
0x63: {  	[sflag:s31] =	ssyncpa.u1 $0x1  }
0x64: {  	p0 =	sne.s32 s1, $0x0;
	_ =	strace $0x90000047  }
0x65: {  	s0 =	sadd.s32 @!p0 $0x100000, s0;
	[bflag:$0x2] =	sbarrier.arrive $0xFFFF  }
0x66: {  	[sflag:s0] =	ssyncadd.tile.s32 @!p0 $0x1;
	_ =	shalt  }
.Lfunc_end1:
_tile_overlayer_lowered:
.L_overlay_start_2:
0x67: {  	(tag) =	ssettag $0x2  }
0x68: {  	s0 =	rddreg [dreg:$0x0];
	s2 =	stileid.u32  }
0x69: {  	s1 =	rddreg [dreg:$0x1];
	p0 =	sne.s32 s2, $0x0  }
0x6a: {  	s3 =	rddreg [dreg:$0x2];
	[bflag:$0x3] =	sbarrier.arrive $0xFFFF;
	s2 =	simm.s32 @!p0 $0x1C01  }
0x6b: {  	[timem:s3], [sflag:s2] =	dma.local @!p0 [hbm:s0], s1  }
0x6c: {  	s0 =	simm.s32 @!p0 $0x1  }
0x6d: {  	_ =	swait.ge @!p0 [sflag:s0], s1  }
0x6e: {  	s1 =	ssub.s32 @!p0 $0x0, s1;
	[sflag:s0] =	ssyncset.done @!p0 $0x0  }
0x6f: {  	[sflag:s0] =	ssyncadd.s32 @!p0 s1  }
0x70: {  	[bflag:$0x3] =	sbarrier.arrive $0xFFFF  }
0x71: {  	_ =	shalt  }

</sc_bundles>
